<compile_context>
chip_gen: v7x
topology: tpu7x:2x2x1
jax: 0.10.2.dev20260603
libtpu: 0.0.44.dev20260713+nightly
codegen_flags: <defaults>
</compile_context>

<pallas_src>
import functools
import math

import jax
import jax.numpy as jnp
from jax import lax
from jax.experimental import pallas as pl
from jax.experimental.pallas import tpu as pltpu
from jax.experimental.pallas import tpu_sc as plsc

D = 128
B = 1024
S = 200
L = 16
NC = 2
NS = 16
NW = NC * NS

N = B * S
ROWS_PER_W = N // NW
CHUNK = S
CHUNKS_PER_W = ROWS_PER_W // CHUNK
G1 = 128
G2 = CHUNK - G1


def _positional_encoding():
    position = jnp.arange(S, dtype=jnp.float32)[:, None]
    div_term = jnp.exp(
        jnp.arange(0.0, D, 2.0, dtype=jnp.float32) * -(math.log(10000.0) / D)
    )
    pe = jnp.zeros((S, D), dtype=jnp.float32)
    pe = pe.at[:, 0::2].set(jnp.sin(position * div_term))
    pe = pe.at[:, 1::2].set(jnp.cos(position * div_term))
    return pe


@functools.partial(
    pl.kernel,
    out_type=jax.ShapeDtypeStruct((N, D), jnp.float32),
    mesh=plsc.VectorSubcoreMesh(core_axis_name="c", subcore_axis_name="s"),
    scratch_types=[
        pltpu.VMEM((ROWS_PER_W,), jnp.int32),
        pltpu.VMEM((S, D), jnp.float32),
        pltpu.VMEM((CHUNK, D), jnp.float32),
        pltpu.SemaphoreType.DMA,
    ],
)
def _emb_kernel(x_hbm, pe_hbm, table_hbm, out_hbm, idx_v, pe_v, rows_v, sem):
    wid = lax.axis_index("s") * NC + lax.axis_index("c")
    base = wid * ROWS_PER_W
    pltpu.sync_copy(x_hbm.at[pl.ds(base, ROWS_PER_W)], idx_v)
    pltpu.sync_copy(pe_hbm, pe_v)

    def chunk_body(c, carry):
        off = pl.multiple_of(c * CHUNK, 8)
        cp1 = pltpu.async_copy(
            table_hbm.at[idx_v.at[pl.ds(off, G1)]],
            rows_v.at[pl.ds(0, G1)],
            sem,
        )
        cp2 = pltpu.async_copy(
            table_hbm.at[idx_v.at[pl.ds(off + G1, G2)]],
            rows_v.at[pl.ds(G1, G2)],
            sem,
        )
        cp1.wait()
        cp2.wait()

        def row_body(i, carry2):
            for d in range(D // L):
                sl = pl.ds(d * L, L)
                rows_v[i, sl] = rows_v[i, sl] + pe_v[i, sl]
            return carry2

        lax.fori_loop(0, CHUNK, row_body, 0)
        pltpu.sync_copy(rows_v, out_hbm.at[pl.ds(base + off, CHUNK)])
        return carry

    lax.fori_loop(0, CHUNKS_PER_W, chunk_body, 0)


def kernel(x, table):
    pe = _positional_encoding()
    out = _emb_kernel(x.reshape(N), pe, table)
    return out.reshape(B, S, D)

# --- scband reference (transcript-rebuilt; emitter-appended) ---
"""Pipeline reference for scband-token-embedding-20641612824843 (READ-ONLY COPY).

The authoritative reference and input builder live on the scoring server;
editing this copy changes nothing except your own understanding.
"""

import math
import jax, jax.numpy as jnp
import numpy as np

VOCAB_SIZE = 1000000
D_MODEL = 128
BATCH = 1024
SEQ_LEN = 200


def positional_encoding(seq_len, d_model):
    position = jnp.arange(seq_len, dtype=jnp.float32)[:, None]
    div_term = jnp.exp(jnp.arange(0.0, d_model, 2.0, dtype=jnp.float32) * -(math.log(10000.0) / d_model))
    pe = jnp.zeros((seq_len, d_model), dtype=jnp.float32)
    pe = pe.at[:, 0::2].set(jnp.sin(position * div_term))
    pe = pe.at[:, 1::2].set(jnp.cos(position * div_term))
    return pe


def setup_inputs(seed: int = 0) -> dict:
    key = jax.random.key(seed)
    k1, k2 = jax.random.split(key)
    x = jax.random.randint(k1, (BATCH, SEQ_LEN), 0, VOCAB_SIZE, dtype=jnp.int32)
    table = jax.random.normal(k2, (VOCAB_SIZE, D_MODEL), dtype=jnp.float32)
    return {"x": x, "table": table}


def reference(x, table):
    seq_len = x.shape[1]
    emb = jnp.take(table, x, axis=0)
    return emb + positional_encoding(seq_len, D_MODEL)

if __name__ == "__main__":
    import jax
    _d = setup_inputs()
    print(jax.jit(kernel)(*tuple(_d.values())))

</pallas_src>

<mosaic_0001>
#map = affine_map<(d0, d1) -> (0)>
#map1 = affine_map<(d0, d1) -> (0, 0)>
module attributes {stable_mosaic.version = 14 : i64} {
  func.func @_emb_kernel(%arg0: i32, %arg1: i32, %arg2: memref<204800xi32, #tpu.memory_space<hbm>>, %arg3: memref<200x128xf32, #tpu.memory_space<hbm>>, %arg4: memref<1000000x128xf32, #tpu.memory_space<hbm>>, %arg5: memref<204800x128xf32, #tpu.memory_space<hbm>>, %arg6: memref<6400xi32, #tpu.memory_space<vmem>>, %arg7: memref<200x128xf32, #tpu.memory_space<vmem>>, %arg8: memref<200x128xf32, #tpu.memory_space<vmem>>, %arg9: memref<!tpu.dma_semaphore, #tpu.memory_space<semaphore_mem>>) attributes {dimension_semantics = [#tpu.dimension_semantics<core_parallel>, #tpu.dimension_semantics<subcore_parallel>], iteration_bounds = array<i64: 2, 16>, scalar_prefetch = 0 : i64, scratch_operands = 4 : i64, tpu.core_type = #tpu.core_type<sc_vector_subcore>, window_params = [{transform_indices = #map}, {transform_indices = #map1}, {transform_indices = #map1}, {transform_indices = #map1}]} {
    %mul3A = arith.constant 2 : i32
    %mul3A_0 = arith.muli %arg1, %mul3A : i32
    %add3A = arith.addi %mul3A_0, %arg0 : i32
    %mul3A_1 = arith.constant 6400 : i32
    %mul3A_2 = arith.muli %add3A, %mul3A_1 : i32
    "tpu.region"() ({
      %run_scoped3A = tpu.sem_alloc : memref<!tpu.dma_semaphore, #tpu.memory_space<semaphore_mem>>
      %dma_start3A = tpu.memref_slice %arg2[%mul3A_2] : memref<204800xi32, #tpu.memory_space<hbm>> -> memref<6400xi32, #tpu.memory_space<hbm>>
      %dma_start3A_8 = tpu.memref_slice %arg2[%mul3A_2] : memref<204800xi32, #tpu.memory_space<hbm>> -> memref<6400xi32, #tpu.memory_space<hbm>>
      tpu.enqueue_dma source(%dma_start3A_8 : memref<6400xi32, #tpu.memory_space<hbm>>) target(%arg6 : memref<6400xi32, #tpu.memory_space<vmem>>) target_semaphore(%run_scoped3A : memref<!tpu.dma_semaphore, #tpu.memory_space<semaphore_mem>>)
      %dma_wait3A = tpu.memref_slice %arg2[%mul3A_2] : memref<204800xi32, #tpu.memory_space<hbm>> -> memref<6400xi32, #tpu.memory_space<hbm>>
      %dma_wait3A_9 = tpu.memref_slice %arg2[%mul3A_2] : memref<204800xi32, #tpu.memory_space<hbm>> -> memref<6400xi32, #tpu.memory_space<hbm>>
      tpu.wait_dma2 semaphore(%run_scoped3A : memref<!tpu.dma_semaphore, #tpu.memory_space<semaphore_mem>>) src(%dma_wait3A_9 : memref<6400xi32, #tpu.memory_space<hbm>>) dst(%arg6 : memref<6400xi32, #tpu.memory_space<vmem>>)
      tpu.yield
    }) : () -> ()
    "tpu.region"() ({
      %run_scoped3A = tpu.sem_alloc : memref<!tpu.dma_semaphore, #tpu.memory_space<semaphore_mem>>
      tpu.enqueue_dma source(%arg3 : memref<200x128xf32, #tpu.memory_space<hbm>>) target(%arg7 : memref<200x128xf32, #tpu.memory_space<vmem>>) target_semaphore(%run_scoped3A : memref<!tpu.dma_semaphore, #tpu.memory_space<semaphore_mem>>)
      tpu.wait_dma2 semaphore(%run_scoped3A : memref<!tpu.dma_semaphore, #tpu.memory_space<semaphore_mem>>) src(%arg3 : memref<200x128xf32, #tpu.memory_space<hbm>>) dst(%arg7 : memref<200x128xf32, #tpu.memory_space<vmem>>)
      tpu.yield
    }) : () -> ()
    %scan3A = arith.constant 0 : i32
    %scan3A_3 = arith.constant 0 : i32
    %scan3A_4 = arith.constant 32 : i32
    %scan3A_5 = arith.addi %scan3A_3, %scan3A_4 : i32
    %scan3A_6 = arith.constant 1 : i32
    scf.for %scan3A_8 = %scan3A_3 to %scan3A_5 step %scan3A_6  : i32 {
      %mul3A_9 = arith.constant 200 : i32
      %mul3A_10 = arith.muli %scan3A_8, %mul3A_9 : i32
      %multiple_of3A = tpu.assume_multiple %mul3A_10, 8 : i32
      %dma_start3A = arith.constant 0 : i32
      %dma_start3A_11 = arith.constant 0 : i32
      %dma_start3A_12 = tpu.memref_slice %arg8[%dma_start3A, %dma_start3A_11] : memref<200x128xf32, #tpu.memory_space<vmem>> -> memref<128x128xf32, #tpu.memory_space<vmem>>
      %dma_start3A_13 = tpu.memref_slice %arg6[%multiple_of3A] : memref<6400xi32, #tpu.memory_space<vmem>> -> memref<128xi32, #tpu.memory_space<vmem>>
      %dma_start3A_14 = arith.constant 0 : i32
      %dma_start3A_15 = arith.constant 0 : i32
      %dma_start3A_16 = tpu.memref_slice %arg4[%dma_start3A_14, %dma_start3A_15] : memref<1000000x128xf32, #tpu.memory_space<hbm>> -> memref<1000000x128xf32, #tpu.memory_space<hbm>>
      tpu.enqueue_indirect_dma source(%dma_start3A_16 : memref<1000000x128xf32, #tpu.memory_space<hbm>>) target(%dma_start3A_12 : memref<128x128xf32, #tpu.memory_space<vmem>>) offsets(%dma_start3A_13 : memref<128xi32, #tpu.memory_space<vmem>>) semaphore(%arg9 : memref<!tpu.dma_semaphore, #tpu.memory_space<semaphore_mem>>)
      %add3A_17 = arith.constant 128 : i32
      %add3A_18 = arith.addi %multiple_of3A, %add3A_17 : i32
      %dma_start3A_19 = arith.constant 128 : i32
      %dma_start3A_20 = arith.constant 0 : i32
      %dma_start3A_21 = tpu.memref_slice %arg8[%dma_start3A_19, %dma_start3A_20] : memref<200x128xf32, #tpu.memory_space<vmem>> -> memref<72x128xf32, #tpu.memory_space<vmem>>
      %dma_start3A_22 = tpu.memref_slice %arg6[%add3A_18] : memref<6400xi32, #tpu.memory_space<vmem>> -> memref<72xi32, #tpu.memory_space<vmem>>
      %dma_start3A_23 = arith.constant 0 : i32
      %dma_start3A_24 = arith.constant 0 : i32
      %dma_start3A_25 = tpu.memref_slice %arg4[%dma_start3A_23, %dma_start3A_24] : memref<1000000x128xf32, #tpu.memory_space<hbm>> -> memref<1000000x128xf32, #tpu.memory_space<hbm>>
      tpu.enqueue_indirect_dma source(%dma_start3A_25 : memref<1000000x128xf32, #tpu.memory_space<hbm>>) target(%dma_start3A_21 : memref<72x128xf32, #tpu.memory_space<vmem>>) offsets(%dma_start3A_22 : memref<72xi32, #tpu.memory_space<vmem>>) semaphore(%arg9 : memref<!tpu.dma_semaphore, #tpu.memory_space<semaphore_mem>>)
      %dma_wait3A = arith.constant 0 : i32
      %dma_wait3A_26 = arith.constant 0 : i32
      %dma_wait3A_27 = tpu.memref_slice %arg8[%dma_wait3A, %dma_wait3A_26] : memref<200x128xf32, #tpu.memory_space<vmem>> -> memref<128x128xf32, #tpu.memory_space<vmem>>
      %dma_wait3A_28 = tpu.memref_slice %arg6[%multiple_of3A] : memref<6400xi32, #tpu.memory_space<vmem>> -> memref<128xi32, #tpu.memory_space<vmem>>
      %dma_wait3A_29 = arith.constant 0 : i32
      %dma_wait3A_30 = arith.constant 0 : i32
      %dma_wait3A_31 = tpu.memref_slice %arg4[%dma_wait3A_29, %dma_wait3A_30] : memref<1000000x128xf32, #tpu.memory_space<hbm>> -> memref<1000000x128xf32, #tpu.memory_space<hbm>>
      tpu.wait_indirect_dma semaphore(%arg9 : memref<!tpu.dma_semaphore, #tpu.memory_space<semaphore_mem>>) src(%dma_wait3A_31 : memref<1000000x128xf32, #tpu.memory_space<hbm>>) dst(%dma_wait3A_27 : memref<128x128xf32, #tpu.memory_space<vmem>>)
      %dma_wait3A_32 = arith.constant 128 : i32
      %dma_wait3A_33 = arith.constant 0 : i32
      %dma_wait3A_34 = tpu.memref_slice %arg8[%dma_wait3A_32, %dma_wait3A_33] : memref<200x128xf32, #tpu.memory_space<vmem>> -> memref<72x128xf32, #tpu.memory_space<vmem>>
      %dma_wait3A_35 = tpu.memref_slice %arg6[%add3A_18] : memref<6400xi32, #tpu.memory_space<vmem>> -> memref<72xi32, #tpu.memory_space<vmem>>
      %dma_wait3A_36 = arith.constant 0 : i32
      %dma_wait3A_37 = arith.constant 0 : i32
      %dma_wait3A_38 = tpu.memref_slice %arg4[%dma_wait3A_36, %dma_wait3A_37] : memref<1000000x128xf32, #tpu.memory_space<hbm>> -> memref<1000000x128xf32, #tpu.memory_space<hbm>>
      tpu.wait_indirect_dma semaphore(%arg9 : memref<!tpu.dma_semaphore, #tpu.memory_space<semaphore_mem>>) src(%dma_wait3A_38 : memref<1000000x128xf32, #tpu.memory_space<hbm>>) dst(%dma_wait3A_34 : memref<72x128xf32, #tpu.memory_space<vmem>>)
      %scan3A_39 = arith.constant 0 : i32
      %scan3A_40 = arith.constant 0 : i32
      %scan3A_41 = arith.constant 200 : i32
      %scan3A_42 = arith.addi %scan3A_40, %scan3A_41 : i32
      %scan3A_43 = arith.constant 1 : i32
      scf.for %scan3A_46 = %scan3A_40 to %scan3A_42 step %scan3A_43  : i32 {
        %get3A = arith.index_cast %scan3A_46 : i32 to index
        %get3A_47 = arith.constant 0 : index
        %get3A_48 = tpu.vector_load %arg8[%get3A, %get3A_47] {strides = array<i32>} : memref<200x128xf32, #tpu.memory_space<vmem>>, vector<1x16xf32>,
        %get3A_49 = vector.shape_cast %get3A_48 : vector<1x16xf32> to vector<16xf32>
        %get3A_50 = arith.index_cast %scan3A_46 : i32 to index
        %get3A_51 = arith.constant 0 : index
        %get3A_52 = tpu.vector_load %arg7[%get3A_50, %get3A_51] {strides = array<i32>} : memref<200x128xf32, #tpu.memory_space<vmem>>, vector<1x16xf32>,
        %get3A_53 = vector.shape_cast %get3A_52 : vector<1x16xf32> to vector<16xf32>
        %add3A_54 = arith.addf %get3A_49, %get3A_53 : vector<16xf32>
        %swap3A = arith.index_cast %scan3A_46 : i32 to index
        %swap3A_55 = arith.constant 0 : index
        %swap3A_56 = tpu.vector_load %arg8[%swap3A, %swap3A_55] {strides = array<i32>} : memref<200x128xf32, #tpu.memory_space<vmem>>, vector<1x16xf32>,
        %swap3A_57 = vector.shape_cast %swap3A_56 : vector<1x16xf32> to vector<16xf32>
        %swap3A_58 = vector.shape_cast %add3A_54 : vector<16xf32> to vector<1x16xf32>
        tpu.vector_store %arg8[%swap3A, %swap3A_55], %swap3A_58 {strides = array<i32>} : memref<200x128xf32, #tpu.memory_space<vmem>>, vector<1x16xf32>,
        %get3A_59 = arith.index_cast %scan3A_46 : i32 to index
        %get3A_60 = arith.constant 16 : index
        %get3A_61 = tpu.vector_load %arg8[%get3A_59, %get3A_60] {strides = array<i32>} : memref<200x128xf32, #tpu.memory_space<vmem>>, vector<1x16xf32>,
        %get3A_62 = vector.shape_cast %get3A_61 : vector<1x16xf32> to vector<16xf32>
        %get3A_63 = arith.index_cast %scan3A_46 : i32 to index
        %get3A_64 = arith.constant 16 : index
        %get3A_65 = tpu.vector_load %arg7[%get3A_63, %get3A_64] {strides = array<i32>} : memref<200x128xf32, #tpu.memory_space<vmem>>, vector<1x16xf32>,
        %get3A_66 = vector.shape_cast %get3A_65 : vector<1x16xf32> to vector<16xf32>
        %add3A_67 = arith.addf %get3A_62, %get3A_66 : vector<16xf32>
        %swap3A_68 = arith.index_cast %scan3A_46 : i32 to index
        %swap3A_69 = arith.constant 16 : index
        %swap3A_70 = tpu.vector_load %arg8[%swap3A_68, %swap3A_69] {strides = array<i32>} : memref<200x128xf32, #tpu.memory_space<vmem>>, vector<1x16xf32>,
        %swap3A_71 = vector.shape_cast %swap3A_70 : vector<1x16xf32> to vector<16xf32>
        %swap3A_72 = vector.shape_cast %add3A_67 : vector<16xf32> to vector<1x16xf32>
        tpu.vector_store %arg8[%swap3A_68, %swap3A_69], %swap3A_72 {strides = array<i32>} : memref<200x128xf32, #tpu.memory_space<vmem>>, vector<1x16xf32>,
        %get3A_73 = arith.index_cast %scan3A_46 : i32 to index
        %get3A_74 = arith.constant 32 : index
        %get3A_75 = tpu.vector_load %arg8[%get3A_73, %get3A_74] {strides = array<i32>} : memref<200x128xf32, #tpu.memory_space<vmem>>, vector<1x16xf32>,
        %get3A_76 = vector.shape_cast %get3A_75 : vector<1x16xf32> to vector<16xf32>
        %get3A_77 = arith.index_cast %scan3A_46 : i32 to index
        %get3A_78 = arith.constant 32 : index
        %get3A_79 = tpu.vector_load %arg7[%get3A_77, %get3A_78] {strides = array<i32>} : memref<200x128xf32, #tpu.memory_space<vmem>>, vector<1x16xf32>,
        %get3A_80 = vector.shape_cast %get3A_79 : vector<1x16xf32> to vector<16xf32>
        %add3A_81 = arith.addf %get3A_76, %get3A_80 : vector<16xf32>
        %swap3A_82 = arith.index_cast %scan3A_46 : i32 to index
        %swap3A_83 = arith.constant 32 : index
        %swap3A_84 = tpu.vector_load %arg8[%swap3A_82, %swap3A_83] {strides = array<i32>} : memref<200x128xf32, #tpu.memory_space<vmem>>, vector<1x16xf32>,
        %swap3A_85 = vector.shape_cast %swap3A_84 : vector<1x16xf32> to vector<16xf32>
        %swap3A_86 = vector.shape_cast %add3A_81 : vector<16xf32> to vector<1x16xf32>
        tpu.vector_store %arg8[%swap3A_82, %swap3A_83], %swap3A_86 {strides = array<i32>} : memref<200x128xf32, #tpu.memory_space<vmem>>, vector<1x16xf32>,
        %get3A_87 = arith.index_cast %scan3A_46 : i32 to index
        %get3A_88 = arith.constant 48 : index
        %get3A_89 = tpu.vector_load %arg8[%get3A_87, %get3A_88] {strides = array<i32>} : memref<200x128xf32, #tpu.memory_space<vmem>>, vector<1x16xf32>,
        %get3A_90 = vector.shape_cast %get3A_89 : vector<1x16xf32> to vector<16xf32>
        %get3A_91 = arith.index_cast %scan3A_46 : i32 to index
        %get3A_92 = arith.constant 48 : index
        %get3A_93 = tpu.vector_load %arg7[%get3A_91, %get3A_92] {strides = array<i32>} : memref<200x128xf32, #tpu.memory_space<vmem>>, vector<1x16xf32>,
        %get3A_94 = vector.shape_cast %get3A_93 : vector<1x16xf32> to vector<16xf32>
        %add3A_95 = arith.addf %get3A_90, %get3A_94 : vector<16xf32>
        %swap3A_96 = arith.index_cast %scan3A_46 : i32 to index
        %swap3A_97 = arith.constant 48 : index
        %swap3A_98 = tpu.vector_load %arg8[%swap3A_96, %swap3A_97] {strides = array<i32>} : memref<200x128xf32, #tpu.memory_space<vmem>>, vector<1x16xf32>,
        %swap3A_99 = vector.shape_cast %swap3A_98 : vector<1x16xf32> to vector<16xf32>
        %swap3A_100 = vector.shape_cast %add3A_95 : vector<16xf32> to vector<1x16xf32>
        tpu.vector_store %arg8[%swap3A_96, %swap3A_97], %swap3A_100 {strides = array<i32>} : memref<200x128xf32, #tpu.memory_space<vmem>>, vector<1x16xf32>,
        %get3A_101 = arith.index_cast %scan3A_46 : i32 to index
        %get3A_102 = arith.constant 64 : index
        %get3A_103 = tpu.vector_load %arg8[%get3A_101, %get3A_102] {strides = array<i32>} : memref<200x128xf32, #tpu.memory_space<vmem>>, vector<1x16xf32>,
        %get3A_104 = vector.shape_cast %get3A_103 : vector<1x16xf32> to vector<16xf32>
        %get3A_105 = arith.index_cast %scan3A_46 : i32 to index
        %get3A_106 = arith.constant 64 : index
        %get3A_107 = tpu.vector_load %arg7[%get3A_105, %get3A_106] {strides = array<i32>} : memref<200x128xf32, #tpu.memory_space<vmem>>, vector<1x16xf32>,
        %get3A_108 = vector.shape_cast %get3A_107 : vector<1x16xf32> to vector<16xf32>
        %add3A_109 = arith.addf %get3A_104, %get3A_108 : vector<16xf32>
        %swap3A_110 = arith.index_cast %scan3A_46 : i32 to index
        %swap3A_111 = arith.constant 64 : index
        %swap3A_112 = tpu.vector_load %arg8[%swap3A_110, %swap3A_111] {strides = array<i32>} : memref<200x128xf32, #tpu.memory_space<vmem>>, vector<1x16xf32>,
        %swap3A_113 = vector.shape_cast %swap3A_112 : vector<1x16xf32> to vector<16xf32>
        %swap3A_114 = vector.shape_cast %add3A_109 : vector<16xf32> to vector<1x16xf32>
        tpu.vector_store %arg8[%swap3A_110, %swap3A_111], %swap3A_114 {strides = array<i32>} : memref<200x128xf32, #tpu.memory_space<vmem>>, vector<1x16xf32>,
        %get3A_115 = arith.index_cast %scan3A_46 : i32 to index
        %get3A_116 = arith.constant 80 : index
        %get3A_117 = tpu.vector_load %arg8[%get3A_115, %get3A_116] {strides = array<i32>} : memref<200x128xf32, #tpu.memory_space<vmem>>, vector<1x16xf32>,
        %get3A_118 = vector.shape_cast %get3A_117 : vector<1x16xf32> to vector<16xf32>
        %get3A_119 = arith.index_cast %scan3A_46 : i32 to index
        %get3A_120 = arith.constant 80 : index
        %get3A_121 = tpu.vector_load %arg7[%get3A_119, %get3A_120] {strides = array<i32>} : memref<200x128xf32, #tpu.memory_space<vmem>>, vector<1x16xf32>,
        %get3A_122 = vector.shape_cast %get3A_121 : vector<1x16xf32> to vector<16xf32>
        %add3A_123 = arith.addf %get3A_118, %get3A_122 : vector<16xf32>
        %swap3A_124 = arith.index_cast %scan3A_46 : i32 to index
        %swap3A_125 = arith.constant 80 : index
        %swap3A_126 = tpu.vector_load %arg8[%swap3A_124, %swap3A_125] {strides = array<i32>} : memref<200x128xf32, #tpu.memory_space<vmem>>, vector<1x16xf32>,
        %swap3A_127 = vector.shape_cast %swap3A_126 : vector<1x16xf32> to vector<16xf32>
        %swap3A_128 = vector.shape_cast %add3A_123 : vector<16xf32> to vector<1x16xf32>
        tpu.vector_store %arg8[%swap3A_124, %swap3A_125], %swap3A_128 {strides = array<i32>} : memref<200x128xf32, #tpu.memory_space<vmem>>, vector<1x16xf32>,
        %get3A_129 = arith.index_cast %scan3A_46 : i32 to index
        %get3A_130 = arith.constant 96 : index
        %get3A_131 = tpu.vector_load %arg8[%get3A_129, %get3A_130] {strides = array<i32>} : memref<200x128xf32, #tpu.memory_space<vmem>>, vector<1x16xf32>,
        %get3A_132 = vector.shape_cast %get3A_131 : vector<1x16xf32> to vector<16xf32>
        %get3A_133 = arith.index_cast %scan3A_46 : i32 to index
        %get3A_134 = arith.constant 96 : index
        %get3A_135 = tpu.vector_load %arg7[%get3A_133, %get3A_134] {strides = array<i32>} : memref<200x128xf32, #tpu.memory_space<vmem>>, vector<1x16xf32>,
        %get3A_136 = vector.shape_cast %get3A_135 : vector<1x16xf32> to vector<16xf32>
        %add3A_137 = arith.addf %get3A_132, %get3A_136 : vector<16xf32>
        %swap3A_138 = arith.index_cast %scan3A_46 : i32 to index
        %swap3A_139 = arith.constant 96 : index
        %swap3A_140 = tpu.vector_load %arg8[%swap3A_138, %swap3A_139] {strides = array<i32>} : memref<200x128xf32, #tpu.memory_space<vmem>>, vector<1x16xf32>,
        %swap3A_141 = vector.shape_cast %swap3A_140 : vector<1x16xf32> to vector<16xf32>
        %swap3A_142 = vector.shape_cast %add3A_137 : vector<16xf32> to vector<1x16xf32>
        tpu.vector_store %arg8[%swap3A_138, %swap3A_139], %swap3A_142 {strides = array<i32>} : memref<200x128xf32, #tpu.memory_space<vmem>>, vector<1x16xf32>,
        %get3A_143 = arith.index_cast %scan3A_46 : i32 to index
        %get3A_144 = arith.constant 112 : index
        %get3A_145 = tpu.vector_load %arg8[%get3A_143, %get3A_144] {strides = array<i32>} : memref<200x128xf32, #tpu.memory_space<vmem>>, vector<1x16xf32>,
        %get3A_146 = vector.shape_cast %get3A_145 : vector<1x16xf32> to vector<16xf32>
        %get3A_147 = arith.index_cast %scan3A_46 : i32 to index
        %get3A_148 = arith.constant 112 : index
        %get3A_149 = tpu.vector_load %arg7[%get3A_147, %get3A_148] {strides = array<i32>} : memref<200x128xf32, #tpu.memory_space<vmem>>, vector<1x16xf32>,
        %get3A_150 = vector.shape_cast %get3A_149 : vector<1x16xf32> to vector<16xf32>
        %add3A_151 = arith.addf %get3A_146, %get3A_150 : vector<16xf32>
        %swap3A_152 = arith.index_cast %scan3A_46 : i32 to index
        %swap3A_153 = arith.constant 112 : index
        %swap3A_154 = tpu.vector_load %arg8[%swap3A_152, %swap3A_153] {strides = array<i32>} : memref<200x128xf32, #tpu.memory_space<vmem>>, vector<1x16xf32>,
        %swap3A_155 = vector.shape_cast %swap3A_154 : vector<1x16xf32> to vector<16xf32>
        %swap3A_156 = vector.shape_cast %add3A_151 : vector<16xf32> to vector<1x16xf32>
        tpu.vector_store %arg8[%swap3A_152, %swap3A_153], %swap3A_156 {strides = array<i32>} : memref<200x128xf32, #tpu.memory_space<vmem>>, vector<1x16xf32>,
      }
      %scan3A_44 = arith.constant 200 : i32
      %add3A_45 = arith.addi %mul3A_2, %multiple_of3A : i32
      "tpu.region"() ({
        %run_scoped3A = tpu.sem_alloc : memref<!tpu.dma_semaphore, #tpu.memory_space<semaphore_mem>>
        %dma_start3A_46 = arith.constant 0 : i32
        %dma_start3A_47 = tpu.memref_slice %arg5[%add3A_45, %dma_start3A_46] : memref<204800x128xf32, #tpu.memory_space<hbm>> -> memref<200x128xf32, #tpu.memory_space<hbm>>
        %dma_start3A_48 = arith.constant 0 : i32
        %dma_start3A_49 = tpu.memref_slice %arg5[%add3A_45, %dma_start3A_48] : memref<204800x128xf32, #tpu.memory_space<hbm>> -> memref<200x128xf32, #tpu.memory_space<hbm>>
        tpu.enqueue_dma source(%arg8 : memref<200x128xf32, #tpu.memory_space<vmem>>) target(%dma_start3A_49 : memref<200x128xf32, #tpu.memory_space<hbm>>) target_semaphore(%run_scoped3A : memref<!tpu.dma_semaphore, #tpu.memory_space<semaphore_mem>>)
        %dma_wait3A_50 = arith.constant 0 : i32
        %dma_wait3A_51 = tpu.memref_slice %arg5[%add3A_45, %dma_wait3A_50] : memref<204800x128xf32, #tpu.memory_space<hbm>> -> memref<200x128xf32, #tpu.memory_space<hbm>>
        %dma_wait3A_52 = arith.constant 0 : i32
        %dma_wait3A_53 = tpu.memref_slice %arg5[%add3A_45, %dma_wait3A_52] : memref<204800x128xf32, #tpu.memory_space<hbm>> -> memref<200x128xf32, #tpu.memory_space<hbm>>
        tpu.wait_dma2 semaphore(%run_scoped3A : memref<!tpu.dma_semaphore, #tpu.memory_space<semaphore_mem>>) src(%arg8 : memref<200x128xf32, #tpu.memory_space<vmem>>) dst(%dma_wait3A_53 : memref<200x128xf32, #tpu.memory_space<hbm>>)
        tpu.yield
      }) : () -> ()
    }
    %scan3A_7 = arith.constant 32 : i32
    return
  }
}

</mosaic_0001>

<sc_bundles>
// kernel: kernel.3.cloned.1.call-start
scs
__scs_entry_jumppad:
0x0: {  	(pc) =	sbr.rel $0x88, $3  }
0x1: {  	(tag) =	ssettag $0x0;
	lr =	simm.s32 $0x1  }
0x2: {  	[smem:$0x3F9F] =	sst lr;
	_ =	strace $0xD0000000  }
0x3: {  	_ = 	snop  }
0x4: {  	_ = 	snop  }
0x5: {  	_ = 	snop  }
0x6: {  	_ = 	snop  }
0x7: {  	_ = 	snop  }
__scs_overlays_trampoline_lowered:
0x8: {  	[smem:$0x3FAE] =	sst s0  }
0x9: {  	[smem:$0x3FAF] =	sst s1  }
0xa: {  	[smem:$0x3FB0] =	sst s2  }
0xb: {  	[smem:$0x3FB1] =	sst s3  }
0xc: {  	[smem:$0x3FB2] =	sst s4  }
0xd: {  	[smem:$0x3FB3] =	sst s5  }
0xe: {  	[smem:$0x3FB4] =	sst s6  }
0xf: {  	[smem:$0x3FB5] =	sst s7  }
0x10: {  	[smem:$0x3FB6] =	sst s8  }
0x11: {  	[smem:$0x3FB7] =	sst s9;
	s0 =	simm.s32 @!p0 $0x0  }
0x12: {  	s1 =	sld [smem:$0x3F9D];
	s0 =	simm.s32 @p0 $0x1  }
0x13: {  	[smem:$0x3FB8] =	sst s0;
	s0 =	simm.s32 @!p1 $0x0  }
0x14: {  	s2 =	sld [smem:$0x3F9C];
	s0 =	simm.s32 @p1 $0x1  }
0x15: {  	[smem:$0x3FB9] =	sst s0;
	s0 =	simm.s32 @!p2 $0x0  }
0x16: {  	s3 =	sld [smem:$0x3FDB];
	s0 =	simm.s32 @p2 $0x1  }
0x17: {  	s4 =	simm.s32 $0x1BF5;
	[smem:$0x3FBB] =	sst s0  }
0x18: {  	s0 =	sld [smem:$0x3F9E];
	_ =	swait.ge [sflag:s4], $0x0  }
0x19: {  	s7 =	sld [smem:$0x3F9F]  }
0x1a: {  	s8 =	sadd.s32 $0xFFFFE003, lr  }
0x1b: {  	s9 =	sadd.s32 $0xFFFFFEF7, lr;
	s5 =	simm.s32 $0xFFFFFFFF;
	p2 =	slt.u32 s8, $0xFFFFF086  }
0x1c: {  	p1 =	slt.u32 s9, $0xF7A;
	s5 =	simm.s32 @!p2 $0x0  }
0x1d: {  	s5 =	simm.s32 @p1 $0x1;
	p0 =	seq.s32 s7, s2  }
0x1e: {  	s7 =	smul.u32 @!p0 $0xF7A, s2;
	p2 =	seq.s32 @!p0 s5, $0x0  }
0x1f: {  	s9 =	smul.u32 $0xF7A, s1;
	s8 =	simm.s32 @!p0 $0x1BF5;
	p2 =	por !p2, p0  }
0x20: {  	[sflag:s8] =	ssyncset.s32 @!p0 $0xFFFFF086;
	s6 =	sadd.s32 @!p0 s3, s7;
	s7 =	simm.s32 @!p0 $0x108  }
0x21: {  	s3 =	sadd.s32 s3, s9;
	s6 =	sadd.s32 @!p0 $0x88, s6;
	s7 =	simm.s32 @p2 $0x1082  }
0x22: {  	[simem:s7], [sflag:s8] =	dma.local @!p0 [hbm:s6], $0xF7A  }
0x23: {  	s9 =	sor.u32 $0xD0000000, s2;
	s6 =	simm.s32 $0x108;
	_ =	swait.ge @!p0 [sflag:s8], $0x0  }
0x24: {  	s3 =	sadd.s32 $0x88, s3;
	s6 =	simm.s32 @!p1 $0x1082;
	[sflag:s4] =	ssyncset.s32 $0xFFFFF086  }
0x25: {  	[simem:s6], [sflag:s4] =	dma.local [hbm:s3], $0xF7A  }
0x26: {  	[smem:$0x3F9F] =	sst s1;
	(tag) =	ssettag s2;
	_ =	strace s9  }
0x27: {  	s1 =	sld [smem:$0x3FAF]  }
0x28: {  	s2 =	sld [smem:$0x3FB0]  }
0x29: {  	s4 =	sld [smem:$0x3FB2]  }
0x2a: {  	p0 =	seq.s32 s5, $0x0;
	s5 =	sld [smem:$0x3FB3]  }
0x2b: {  	s6 =	sld [smem:$0x3FB4]  }
0x2c: {  	s7 =	sld [smem:$0x3FB5]  }
0x2d: {  	s3 =	simm.s32 $0x108;
	s8 =	sld [smem:$0x3FB6]  }
0x2e: {  	s3 =	simm.s32 @!p0 $0x1082;
	s9 =	sld [smem:$0x3FB7]  }
0x2f: {  	lr =	sadd.s32 s0, s3;
	s0 =	sld [smem:$0x3FAE]  }
0x30: {  	s3 =	sld [smem:$0x3FB1]  }
0x31: {  	[smem:$0x3FBA] =	sst s10  }
0x32: {  	s10 =	sld [smem:$0x3FB8];
	_ =	sdelay $0x3  }
0x33: {  	p0 =	seq.s32 s10, $0x1;
	s10 =	sld [smem:$0x3FBA];
	_ =	sdelay $0x3  }
0x34: {  	[smem:$0x3FBA] =	sst s10  }
0x35: {  	s10 =	sld [smem:$0x3FB9];
	_ =	sdelay $0x3  }
0x36: {  	p1 =	seq.s32 s10, $0x1;
	s10 =	sld [smem:$0x3FBA];
	_ =	sdelay $0x3  }
0x37: {  	[smem:$0x3FBA] =	sst s10  }
0x38: {  	s10 =	sld [smem:$0x3FBB]  }
0x39: {  	_ = 	snop;
	(pc) =	sbr.ind lr, $3  }
0x3a: {  	_ = 	snop  }
0x3b: {  	_ = 	snop  }
0x3c: {  	p2 =	seq.s32 s10, $0x1;
	s10 =	sld [smem:$0x3FBA]  }
0x3d: {  	_ =	shalt  }
0x3e: {  	_ =	shalt  }
0x3f: {  	_ =	shalt  }
0x40: {  	_ =	shalt  }
0x41: {  	_ =	shalt  }
0x42: {  	_ =	shalt  }
0x43: {  	_ =	shalt  }
0x44: {  	_ =	shalt  }
0x45: {  	_ =	shalt  }
0x46: {  	_ =	shalt  }
0x47: {  	_ =	shalt  }
0x48: {  	_ =	shalt  }
0x49: {  	_ =	shalt  }
0x4a: {  	_ =	shalt  }
0x4b: {  	_ =	shalt  }
0x4c: {  	_ =	shalt  }
0x4d: {  	_ =	shalt  }
0x4e: {  	_ =	shalt  }
0x4f: {  	_ =	shalt  }
0x50: {  	_ =	shalt  }
0x51: {  	_ =	shalt  }
0x52: {  	_ =	shalt  }
0x53: {  	_ =	shalt  }
0x54: {  	_ =	shalt  }
0x55: {  	_ =	shalt  }
0x56: {  	_ =	shalt  }
0x57: {  	_ =	shalt  }
0x58: {  	_ =	shalt  }
0x59: {  	_ =	shalt  }
0x5a: {  	_ =	shalt  }
0x5b: {  	_ =	shalt  }
0x5c: {  	_ =	shalt  }
0x5d: {  	_ =	shalt  }
0x5e: {  	_ =	shalt  }
0x5f: {  	_ =	shalt  }
0x60: {  	_ =	shalt  }
0x61: {  	_ =	shalt  }
0x62: {  	_ =	shalt  }
0x63: {  	_ =	shalt  }
0x64: {  	_ =	shalt  }
0x65: {  	_ =	shalt  }
0x66: {  	_ =	shalt  }
0x67: {  	_ =	shalt  }
0x68: {  	_ =	shalt  }
0x69: {  	_ =	shalt  }
0x6a: {  	_ =	shalt  }
0x6b: {  	_ =	shalt  }
0x6c: {  	_ =	shalt  }
0x6d: {  	_ =	shalt  }
0x6e: {  	_ =	shalt  }
0x6f: {  	_ =	shalt  }
0x70: {  	_ =	shalt  }
0x71: {  	_ =	shalt  }
0x72: {  	_ =	shalt  }
0x73: {  	_ =	shalt  }
0x74: {  	_ =	shalt  }
0x75: {  	_ =	shalt  }
0x76: {  	_ =	shalt  }
0x77: {  	_ =	shalt  }
0x78: {  	_ =	shalt  }
0x79: {  	_ =	shalt  }
0x7a: {  	_ =	shalt  }
0x7b: {  	_ =	shalt  }
0x7c: {  	_ =	shalt  }
0x7d: {  	_ =	shalt  }
0x7e: {  	_ =	shalt  }
0x7f: {  	_ =	shalt  }
0x80: {  	_ =	shalt  }
0x81: {  	_ =	shalt  }
0x82: {  	_ =	shalt  }
0x83: {  	_ =	shalt  }
0x84: {  	_ =	shalt  }
0x85: {  	_ =	shalt  }
0x86: {  	_ =	shalt  }
0x87: {  	_ =	shalt  }
.Lfunc_end0:
.L_simem_size_0:
called_computation_lowered:
.L_overlay_start_0:
0x88: {  	s2 =	sld [smem:$0x3FD9]  }
0x89: {  	s3 =	sld [smem:$0x3FFE];
	_ =	sdelay $0x1  }
0x8a: {  	s1 =	srdreg.scid  }
0x8b: {  	s0 =	sand.u32 $0x1, s1  }
0x8c: {  	s17 =	sshll.u32 s0, $0xA;
	s2 =	sadd.s32 s3, s2  }
0x8d: {  	s2 =	sadd.s32 s2, s17  }
0x8e: {  	[smem:$0x3FC6] =	sst s2  }
0x8f: {  	_ = 	snop  }
0x90: {  	s2 =	sld [smem:$0x3FC8]  }
0x91: {  	s18 =	sld [smem:$0x3FD0];
	(tm) =	ssettm $0x1  }
0x92: {  	s4 =	sld [smem:$0x3FFB];
	_ =	sdelay $0x3  }
0x93: {  	_ =	strace s4  }
0x94: {  	s4 =	sld [smem:$0x3FFC];
	_ =	sdelay $0x3  }
0x95: {  	_ =	strace s4  }
0x96: {  	s4 =	sld [smem:$0x3FFD];
	_ =	sdelay $0x3  }
0x97: {  	_ =	strace s4  }
0x98: {  	_ =	strace $0x8FFFFFFF  }
0x99: {  	s19 =	sld [smem:$0x3FDB];
	_ =	sdelay $0x1  }
0x9a: {  	s5 =	simm.s32 $_scs_section_size  }
0x9b: {  	s6 =	simm.s32 $_size__tile_overlayer_lowered;
	s7 =	simm.s32 $_tile_overlayer_lowered  }
0x9c: {  	s22 =	simm.s32 $0x1BFF;
	s21 =	sshll.u32 s7, $0x1;
	s4 =	sadd.s32 s5, s19  }
0x9d: {  	s8 =	simm.s32 $0x0;
	s20 =	sshll.u32 s6, $0x1;
	s6 =	sadd.s32 s21, s4  }
0x9e: {  	[timem:s8], [sflag:s22] =	dma.local [hbm:s6], s20  }
0x9f: {  	_ =	swait.ge [sflag:s22], s20  }
0xa0: {  	s5 =	ssub.s32 $0x0, s20;
	[sflag:s22] =	ssyncset.done $0x0  }
0xa1: {  	[sflag:s22] =	ssyncadd.s32 s5;
	_ =	sdelay $0x1  }
0xa2: {  	s23 =	simm.s32 $0x1B8B  }
0xa3: {  	_ =	swait.ge [sflag:s23], $0x1  }
0xa4: {  	[sflag:s23] =	ssyncset.done $0x0  }
0xa5: {  	s25 =	simm.s32 $0x1B8E;
	s24 =	sld [smem:$0x3FFE];
	[sflag:s23] =	ssyncadd.s32 $0xFFFFFFFF  }
0xa6: {  	s26 =	simm.s32 $execute0_lowered;
	[smem:$0x3FD2] =	sst s25  }
0xa7: {  	s6 =	sshll.u32 s26, $0x1;
	_ =	strace $0x80000046;
	[dreg:$0x1] =	wrdreg $0xFFFFFFFF  }
0xa8: {  	s28 =	simm.s32 $_size_execute0_lowered;
	s4 =	sadd.s32 s4, s6;
	[dreg:$0x0] =	wrdreg $0x0  }
0xa9: {  	s6 =	sshll.u32 s28, $0x1;
	[dreg:$0x2] =	wrdreg s4  }
0xaa: {  	[dreg:$0x3] =	wrdreg s6  }
0xab: {  	[dreg:$0x4] =	wrdreg $0xC0  }
0xac: {  	_ =	task [dreg:s8], $0x5FFFF  }
0xad: {  	[dreg:$0x1] =	wrdreg $0xFFFFFFFF  }
0xae: {  	[dreg:$0x0] =	wrdreg $0x60  }
0xaf: {  	[dreg:$0x2] =	wrdreg s24  }
0xb0: {  	[dreg:$0x3] =	wrdreg s2  }
0xb1: {  	[dreg:$0x4] =	wrdreg s18  }
0xb2: {  	[dreg:$0x5] =	wrdreg $0x9  }
0xb3: {  	_ =	task.clear_ibuf [dreg:s8], $0x6FFFF;
	_ =	strace $0x90000046  }
0xb4: {  	s29 =	simm.s32 $0x9;
	_ =	strace $0x80000048  }
0xb5: {  	_ =	swait.ge [sflag:s29], $0x1  }
0xb6: {  	[sflag:s29] =	ssyncadd.s32 $0xFFFFFFFF  }
0xb7: {  	_ =	strace $0x90000048  }
0xb8: {  	_ =	sfence  }
0xb9: {  	s30 =	sld [smem:$0x0];
	_ =	sdelay $0x2  }
0xba: {  	s31 =	sshll.u32 s1, $0xD;
	s1 =	sshrl.u32 s1, $0x2  }
0xbb: {  	s3 =	sand.u32 $0x4000, s31;
	s1 =	sadd.s32 s1, s30  }
0xbc: {  	s0 =	sor.u32 s3, s0;
	s1 =	sshll.u32 s1, $0x11  }
0xbd: {  	s0 =	sor.u32 s1, s0  }
0xbe: {  	s0 =	sadd.s32 $0x8F2B, s0  }
0xbf: {  	[sflag:s0] =	ssyncadd.remote.s32 $0x1  }
0xc0: {  	_ =	sfence.sel $0xFFFF  }
0xc1: {  	[dreg:$0x0] =	wrdreg $0xFFFFFFFF;
	(pc) =	sbr.abs _section_cstart, $3  }
0xc2: {  	[dreg:$0x1] =	wrdreg $0xFFFFFFFF  }
0xc3: {  	_ =	task.clear_ibuf [dreg:s8], $0x2FFFF;
	_ =	strace $0x9FFFFFFF  }
0xc4: {  	(tm) =	ssettm $0x7FFFFFFF  }
0xc5: {  	_ =	shalt  }
tec
execute0_lowered:
.L_overlay_start_1:
0x0: {  	(tag) =	ssettag $0x1  }
0x1: {  	s2 =	srdreg.scid;
	s1 =	rddreg [dreg:$0x0]  }
0x2: {  	s0 =	stileid.u32;
	s3 =	rddreg [dreg:$0x1]  }
0x3: {  	s4 =	rddreg [dreg:$0x2];
	s6 =	simm.s32 $0x0;
	s10 =	simm.s32 $0x1900  }
0x4: {  	s11 =	simm.s32 $0x80;
	s7 =	sand.u32 $0x1, s2;
	s31 =	sshll.u32 s0, $0x1  }
0x5: {  	s12 =	simm.s32 $0x7D00;
	s13 =	simm.s32 $0x48;
	s2 =	sor.u32 s7, s31  }
0x6: {  	s14 =	simm.s32 $0xBD00;
	s15 =	simm.s32 $0x1;
	s5 =	smul.u32 $0x1900, s2  }
0x7: {  	s16 =	simm.s32 $0x0;
	[smem:$0x7FF] =	sst s6;
	s7 =	ssub.s32 $0x2, s7  }
0x8: {  	s2 =	rddreg [dreg:$0x3];
	s9 =	sshrl.u32 s7, $0x1;
	s8 =	sshrl.u32 s5, $0x3  }
0x9: {  	_ =	strace $0x80000047;
	s9 =	ssub.s32 s7, s9;
	s8 =	sadd.s32 s8, s1  }
0xa: {  	s7 =	sadd.s32 $0xE00, s8;
	s8 =	smax.u32 s9, $0x1;
	s9 =	simm.s32 $0x2  }
.LBB2_1:
0xb: {  	[tilespmem:s6], [sflag:$0x2] =	stream.linear.gather [hbm4b:s7+s6], $0x1900, $0x38;
	[tilespmem:$0xE100] =	vst v63  }
0xc: {  	_ =	swait.ge [sflag:s9], $0x1900  }
0xd: {  	[sflag:s9] =	ssyncset.done $0x0  }
0xe: {  	[sflag:s9] =	ssyncadd.s32 $0xFFFFE700  }
0xf: {  	[tilespmem:s10], [sflag:$0x2] =	stream.linear.gather [hbm4b:s1+s6], $0x6400, $0x38;
	[tilespmem:$0xE100] =	vst v63  }
0x10: {  	_ =	swait.ge [sflag:s9], $0x6400  }
0x11: {  	[sflag:s9] =	ssyncset.done $0x0  }
0x12: {  	s17 =	simm.s32 $0x0;
	[sflag:s9] =	ssyncadd.s32 $0xFFFF9C00  }
.LBB2_2:
0x13: {  	s18 =	smul.u32 $0xC8, s17;
	_ =	sdelay $0x1  }
0x14: {  	[tilespmem:s12], [sflag:$0x1] =	stream.indirect.gather [hbm4b:s3+s11], $0x80, s18, s11, $0xb8;
	[tilespmem:$0xE100] =	vst v63  }
0x15: {  	s19 =	sadd.s32 $0x80, s18  }
0x16: {  	[tilespmem:s14], [sflag:$0x1] =	stream.indirect.gather [hbm4b:s3+s13], $0x80, s19, s13, $0xb8;
	[tilespmem:$0xE100] =	vst v63  }
0x17: {  	_ =	swait.ge [sflag:s15], $0x4000  }
0x18: {  	[sflag:s15] =	ssyncset.done $0x0  }
0x19: {  	[sflag:s15] =	ssyncadd.s32 $0xFFFFC000  }
0x1a: {  	_ =	swait.ge [sflag:s15], $0x2400  }
0x1b: {  	[sflag:s15] =	ssyncset.done $0x0  }
0x1c: {  	s19 =	simm.s32 $0x0;
	[sflag:s15] =	ssyncadd.s32 $0xFFFFDC00  }
0x1d: {  	v7 =	vld [tilespmem:s19+$0x1900]  }
0x1e: {  	v11 =	vld [tilespmem:s19+$0x1910]  }
0x1f: {  	v5 =	vld [tilespmem:s19+$0x1920]  }
0x20: {  	v4 =	vld [tilespmem:s19+$0x1930]  }
0x21: {  	v3 =	vld [tilespmem:s19+$0x1940]  }
0x22: {  	v2 =	vld [tilespmem:s19+$0x1950]  }
0x23: {  	v1 =	vld [tilespmem:s19+$0x1960]  }
0x24: {  	v0 =	vld [tilespmem:s19+$0x1970]  }
0x25: {  	v12 =	vld [tilespmem:s19+$0x7D00]  }
0x26: {  	v13 =	vld [tilespmem:s19+$0x7D10]  }
0x27: {  	v10 =	vld [tilespmem:s19+$0x7D20]  }
0x28: {  	v9 =	vld [tilespmem:s19+$0x7D30]  }
0x29: {  	v8 =	vld [tilespmem:s19+$0x7D40]  }
0x2a: {  	v6 =	vld [tilespmem:s19+$0x7D50];
	v12 =	vadd.f32 v7, v12  }
0x2b: {  	s20 =	simm.s32 $0x200;
	v11 =	vadd.f32 v11, v13;
	v7 =	vld [tilespmem:s19+$0x7D60]  }
.LBB2_3:
0x2c: {  	s21 =	sshra.s32 s20, $0x2;
	p0 =	sne.s32 s20, $0x18E00;
	[tilespmem:s19+$0x7D00] =	vst v12;
	v5 =	vadd.f32 v5, v10;
	v10 =	vld [tilespmem:s19+$0x7D70]  }
0x2d: {  	v12 =	vld [tilespmem:s21+$0x1900];
	[tilespmem:s19+$0x7D10] =	vst v11;
	v4 =	vadd.f32 v4, v9  }
0x2e: {  	v11 =	vld [tilespmem:s21+$0x1910];
	[tilespmem:s19+$0x7D20] =	vst v5;
	v3 =	vadd.f32 v3, v8  }
0x2f: {  	v5 =	vld [tilespmem:s21+$0x1920];
	[tilespmem:s19+$0x7D30] =	vst v4;
	v2 =	vadd.f32 v2, v6  }
0x30: {  	v4 =	vld [tilespmem:s21+$0x1930];
	[tilespmem:s19+$0x7D40] =	vst v3;
	v1 =	vadd.f32 v1, v7  }
0x31: {  	v3 =	vld [tilespmem:s21+$0x1940];
	[tilespmem:s19+$0x7D50] =	vst v2;
	v0 =	vadd.f32 v0, v10  }
0x32: {  	v2 =	vld [tilespmem:s21+$0x1950];
	[tilespmem:s19+$0x7D60] =	vst v1  }
0x33: {  	v1 =	vld [tilespmem:s21+$0x1960];
	[tilespmem:s19+$0x7D70] =	vst v0;
	s19 =	smov.u32 s21  }
0x34: {  	v0 =	vld [tilespmem:s19+$0x1970]  }
0x35: {  	v6 =	vld [tilespmem:s19+$0x7D00]  }
0x36: {  	v7 =	vld [tilespmem:s19+$0x7D10]  }
.Ltmp0:
0x37: {  	v10 =	vld [tilespmem:s19+$0x7D20];
	(pc) =	sbr.rel @p0 .LBB2_3-.Ltmp0, $4  }
0x38: {  	v9 =	vld [tilespmem:s19+$0x7D30]  }
0x39: {  	v8 =	vld [tilespmem:s19+$0x7D40]  }
0x3a: {  	v12 =	vadd.f32 v12, v6;
	v6 =	vld [tilespmem:s19+$0x7D50]  }
0x3b: {  	s20 =	sadd.s32 $0x200, s20;
	v11 =	vadd.f32 v11, v7;
	v7 =	vld [tilespmem:s19+$0x7D60]  }
0x3c: {  	[tilespmem:s19+$0x7D00] =	vst v12;
	v5 =	vadd.f32 v5, v10;
	v63 =	vld [tilespmem:s19+$0x7D70]  }
0x3d: {  	[tilespmem:s19+$0x7D10] =	vst v11;
	v4 =	vadd.f32 v4, v9  }
0x3e: {  	[tilespmem:s19+$0x7D20] =	vst v5;
	v3 =	vadd.f32 v3, v8  }
0x3f: {  	[tilespmem:s19+$0x7D30] =	vst v4;
	v2 =	vadd.f32 v2, v6  }
0x40: {  	[tilespmem:s19+$0x7D40] =	vst v3;
	v1 =	vadd.f32 v1, v7  }
0x41: {  	s18 =	sadd.s32 s5, s18;
	s17 =	sadd.s32 $0x1, s17;
	[tilespmem:s19+$0x7D50] =	vst v2;
	v0 =	vadd.f32 v0, v63  }
0x42: {  	s18 =	sshll.u32 s18, $0x4;
	p0 =	sne.s32 s17, $0x20;
	[tilespmem:s19+$0x7D60] =	vst v1  }
.Ltmp1:
0x43: {  	s18 =	sadd.s32 s4, s18;
	[tilespmem:s19+$0x7D70] =	vst v0;
	(pc) =	sbr.rel @p0 .LBB2_2-.Ltmp1, $4  }
0x44: {  	[hbm4b:s18+s6] =	stream.linear.scatter [tilespmem:s12], [sflag:$0x2], $0x6400, $0x38;
	[tilespmem:$0xE100] =	vst v63  }
0x45: {  	_ =	swait.ge [sflag:s9], $0x6400  }
0x46: {  	[sflag:s9] =	ssyncset.done $0x0  }
0x47: {  	[sflag:s9] =	ssyncadd.s32 $0xFFFF9C00  }
0x48: {  	s16 =	sadd.s32 $0x1, s16  }
0x49: {  	p0 =	sne.s32 s16, s8  }
.Ltmp2:
0x4a: {  	_ = 	snop;
	(pc) =	sbr.rel @p0 .LBB2_1-.Ltmp2, $1  }
0x4b: {  	_ =	sdelay $0x3  }
0x4c: {  	_ =	sfence.sel $0x180000  }
0x4d: {  	[bflag:$0x0] =	sbarrier.arrive $0xFFFF  }
0x4e: {  	p0 =	sne.s32 s0, $0x0;
	_ =	strace $0x90000047  }
0x4f: {  	s0 =	sadd.s32 @!p0 $0x100000, s2;
	[bflag:$0x2] =	sbarrier.arrive $0xFFFF  }
0x50: {  	[sflag:s0] =	ssyncadd.tile.s32 @!p0 $0x1;
	_ =	shalt  }
.Lfunc_end2:
_tile_overlayer_lowered:
.L_overlay_start_2:
0x51: {  	(tag) =	ssettag $0x2  }
0x52: {  	s0 =	rddreg [dreg:$0x0];
	s2 =	stileid.u32  }
0x53: {  	s1 =	rddreg [dreg:$0x1];
	p0 =	sne.s32 s2, $0x0  }
0x54: {  	s3 =	rddreg [dreg:$0x2];
	[bflag:$0x3] =	sbarrier.arrive $0xFFFF;
	s2 =	simm.s32 @!p0 $0x1C02  }
0x55: {  	[timem:s3], [sflag:s2] =	dma.local @!p0 [hbm:s0], s1  }
0x56: {  	s0 =	simm.s32 @!p0 $0x2  }
0x57: {  	_ =	swait.ge @!p0 [sflag:s0], s1  }
0x58: {  	s1 =	ssub.s32 @!p0 $0x0, s1;
	[sflag:s0] =	ssyncset.done @!p0 $0x0  }
0x59: {  	[sflag:s0] =	ssyncadd.s32 @!p0 s1  }
0x5a: {  	[bflag:$0x3] =	sbarrier.arrive $0xFFFF  }
0x5b: {  	_ =	shalt  }

</sc_bundles>
